<compile_context>
chip_gen: v7x
topology: tpu7x:2x2x1
jax: 0.10.2.dev20260603
libtpu: 0.0.44.dev20260713+nightly
codegen_flags: <defaults>
</compile_context>

<pallas_src>
import functools

import jax
import jax.numpy as jnp
from jax import lax
from jax.experimental import pallas as pl
from jax.experimental.pallas import tpu as pltpu
from jax.experimental.pallas import tpu_sc as plsc

EMB_S = 20
EMB_M = 20
EMB_H = 50
EMB_T = EMB_S + EMB_M + EMB_H
BATCH = 16384
CW = 16
PS = 32
PH = 64

_NC, _NS = 2, 16
_NW = _NC * _NS
_BPW = BATCH // _NW


@functools.cache
def _get_sc_kernel():
  mesh = plsc.VectorSubcoreMesh(core_axis_name="c", subcore_axis_name="s",
                                num_cores=_NC, num_subcores=_NS)

  @functools.partial(
      pl.kernel,
      out_type=jax.ShapeDtypeStruct((BATCH * EMB_T,), jnp.float32),
      mesh=mesh,
      scratch_types=[
          pltpu.VMEM((_BPW,), jnp.int32),
          pltpu.VMEM((_BPW,), jnp.int32),
          pltpu.VMEM((_BPW,), jnp.int32),
          pltpu.VMEM((_BPW, PS), jnp.float32),
          pltpu.VMEM((_BPW, PS), jnp.float32),
          pltpu.VMEM((_BPW, PH), jnp.float32),
          pltpu.VMEM((_BPW * EMB_T + CW,), jnp.float32),
          pltpu.SemaphoreType.DMA,
      ],
      compiler_params=pltpu.CompilerParams(use_tc_tiling_on_sc=False),
  )
  def sc_cat(sidx_hbm, midx_hbm, hidx_hbm, ws_hbm, wm_hbm, wh_hbm, out_hbm,
             si_v, mi_v, hi_v, bs, bm, bh, cat, sem):
    wid = lax.axis_index("s") * _NC + lax.axis_index("c")
    base = wid * _BPW
    pltpu.sync_copy(sidx_hbm.at[pl.ds(base, _BPW)], si_v)
    pltpu.sync_copy(midx_hbm.at[pl.ds(base, _BPW)], mi_v)
    pltpu.sync_copy(hidx_hbm.at[pl.ds(base, _BPW)], hi_v)
    cs = pltpu.async_copy(ws_hbm.at[si_v], bs, sem)
    cm = pltpu.async_copy(wm_hbm.at[mi_v], bm, sem)
    ch = pltpu.async_copy(wh_hbm.at[hi_v], bh, sem)
    cs.wait()
    cm.wait()
    ch.wait()

    plan = ((bs, 0, 0), (bs, 16, 16),
            (bm, 0, EMB_S), (bm, 16, EMB_S + 16),
            (bh, 0, 40), (bh, 16, 56), (bh, 32, 72), (bh, 48, 88))

    def assemble(j2, _):
      for dj in range(2):
        j = 2 * j2 + dj
        rb = EMB_T * j
        for (buf, src, off) in plan:
          v = jnp.reshape(buf[pl.ds(j, 1), pl.ds(src, CW)], (CW,))
          cat[pl.ds(rb + off, CW)] = v
      return 0

    lax.fori_loop(0, _BPW // 2, assemble, 0)
    pltpu.sync_copy(cat.at[pl.ds(0, _BPW * EMB_T)],
                    out_hbm.at[pl.ds(base * EMB_T, _BPW * EMB_T)])

  return sc_cat


def kernel(store_idx, menu_idx, holiday_idx, W_store, W_menu, W_holiday):
  s = store_idx.astype(jnp.int32)
  m = menu_idx.astype(jnp.int32)
  h = holiday_idx.astype(jnp.int32)
  ws_p = jnp.pad(W_store, ((0, 0), (0, PS - EMB_S)))
  wm_p = jnp.pad(W_menu, ((0, 0), (0, PS - EMB_M)))
  wh_p = jnp.pad(W_holiday, ((0, 0), (0, PH - EMB_H)))
  flat = _get_sc_kernel()(s, m, h, ws_p, wm_p, wh_p)
  return flat.reshape(BATCH, EMB_T)

# --- scband reference (transcript-rebuilt; emitter-appended) ---
"""Pipeline reference for scband-category-embeddings-24326694764946 (READ-ONLY COPY).

The authoritative reference and input builder live on the scoring server;
editing this copy changes nothing except your own understanding.
"""

import jax, jax.numpy as jnp
import numpy as np

NUM_STORE = 1000
NUM_MENU = 100000
NUM_HOLIDAY = 512
EMB_STORE = 20
EMB_MENU = 20
EMB_HOLIDAY = 50
BATCH = 16384


def setup_inputs(seed: int = 0) -> dict:
    key = jax.random.key(seed)
    k1, k2, k3, k4, k5, k6 = jax.random.split(key, 6)
    store_idx = jax.random.randint(k1, (BATCH,), 0, NUM_STORE, dtype=jnp.int64) if jax.config.read('jax_enable_x64') else jax.random.randint(k1, (BATCH,), 0, NUM_STORE, dtype=jnp.int32)
    menu_idx = jax.random.randint(k2, (BATCH,), 0, NUM_MENU, dtype=jnp.int32)
    holiday_idx = jax.random.randint(k3, (BATCH,), 0, NUM_HOLIDAY, dtype=jnp.int32)
    # Learned embedding tables (nn.Embedding default init ~ N(0,1))
    W_store = jax.random.normal(k4, (NUM_STORE, EMB_STORE), dtype=jnp.float32)
    W_menu = jax.random.normal(k5, (NUM_MENU, EMB_MENU), dtype=jnp.float32)
    W_holiday = jax.random.normal(k6, (NUM_HOLIDAY, EMB_HOLIDAY), dtype=jnp.float32)
    return {
        'store_idx': store_idx,
        'menu_idx': menu_idx,
        'holiday_idx': holiday_idx,
        'W_store': W_store,
        'W_menu': W_menu,
        'W_holiday': W_holiday,
    }


def reference(store_idx, menu_idx, holiday_idx, W_store, W_menu, W_holiday):
    # Faithful translation of CategoryEmbeddings.forward once indices are encoded:
    # three embedding lookups followed by concatenation along the feature dim.
    store_emb = jnp.take(W_store, store_idx, axis=0)
    menu_emb = jnp.take(W_menu, menu_idx, axis=0)
    holiday_emb = jnp.take(W_holiday, holiday_idx, axis=0)
    x_cat = jnp.concatenate([store_emb, menu_emb, holiday_emb], axis=1)
    return x_cat

if __name__ == "__main__":
    import jax
    _d = setup_inputs()
    print(jax.jit(kernel)(*tuple(_d.values())))

</pallas_src>

<mosaic_0001>
#map = affine_map<(d0, d1) -> (0)>
#map1 = affine_map<(d0, d1) -> (0, 0)>
module attributes {stable_mosaic.version = 14 : i64} {
  func.func @sc_cat(%arg0: i32, %arg1: i32, %arg2: memref<16384xi32, #tpu.memory_space<hbm>>, %arg3: memref<16384xi32, #tpu.memory_space<hbm>>, %arg4: memref<16384xi32, #tpu.memory_space<hbm>>, %arg5: memref<1000x32xf32, #tpu.memory_space<hbm>>, %arg6: memref<100000x32xf32, #tpu.memory_space<hbm>>, %arg7: memref<512x64xf32, #tpu.memory_space<hbm>>, %arg8: memref<1474560xf32, #tpu.memory_space<hbm>>, %arg9: memref<512xi32, #tpu.memory_space<vmem>>, %arg10: memref<512xi32, #tpu.memory_space<vmem>>, %arg11: memref<512xi32, #tpu.memory_space<vmem>>, %arg12: memref<512x32xf32, #tpu.memory_space<vmem>>, %arg13: memref<512x32xf32, #tpu.memory_space<vmem>>, %arg14: memref<512x64xf32, #tpu.memory_space<vmem>>, %arg15: memref<46096xf32, #tpu.memory_space<vmem>>, %arg16: memref<!tpu.dma_semaphore, #tpu.memory_space<semaphore_mem>>) attributes {dimension_semantics = [#tpu.dimension_semantics<core_parallel>, #tpu.dimension_semantics<subcore_parallel>], iteration_bounds = array<i64: 2, 16>, scalar_prefetch = 0 : i64, scratch_operands = 8 : i64, tpu.core_type = #tpu.core_type<sc_vector_subcore>, window_params = [{transform_indices = #map}, {transform_indices = #map}, {transform_indices = #map}, {transform_indices = #map1}, {transform_indices = #map1}, {transform_indices = #map1}, {transform_indices = #map}]} {
    %mul3A = arith.constant 2 : i32
    %mul3A_0 = arith.muli %arg1, %mul3A : i32
    %add3A = arith.addi %mul3A_0, %arg0 : i32
    %mul3A_1 = arith.constant 512 : i32
    %mul3A_2 = arith.muli %add3A, %mul3A_1 : i32
    "tpu.region"() ({
      %run_scoped3A = tpu.sem_alloc : memref<!tpu.dma_semaphore, #tpu.memory_space<semaphore_mem>>
      %dma_start3A_27 = tpu.memref_slice %arg2[%mul3A_2] : memref<16384xi32, #tpu.memory_space<hbm>> -> memref<512xi32, #tpu.memory_space<hbm>>
      %dma_start3A_28 = tpu.memref_slice %arg2[%mul3A_2] : memref<16384xi32, #tpu.memory_space<hbm>> -> memref<512xi32, #tpu.memory_space<hbm>>
      tpu.enqueue_dma source(%dma_start3A_28 : memref<512xi32, #tpu.memory_space<hbm>>) target(%arg9 : memref<512xi32, #tpu.memory_space<vmem>>) target_semaphore(%run_scoped3A : memref<!tpu.dma_semaphore, #tpu.memory_space<semaphore_mem>>)
      %dma_wait3A_29 = tpu.memref_slice %arg2[%mul3A_2] : memref<16384xi32, #tpu.memory_space<hbm>> -> memref<512xi32, #tpu.memory_space<hbm>>
      %dma_wait3A_30 = tpu.memref_slice %arg2[%mul3A_2] : memref<16384xi32, #tpu.memory_space<hbm>> -> memref<512xi32, #tpu.memory_space<hbm>>
      tpu.wait_dma2 semaphore(%run_scoped3A : memref<!tpu.dma_semaphore, #tpu.memory_space<semaphore_mem>>) src(%dma_wait3A_30 : memref<512xi32, #tpu.memory_space<hbm>>) dst(%arg9 : memref<512xi32, #tpu.memory_space<vmem>>)
      tpu.yield
    }) : () -> ()
    "tpu.region"() ({
      %run_scoped3A = tpu.sem_alloc : memref<!tpu.dma_semaphore, #tpu.memory_space<semaphore_mem>>
      %dma_start3A_27 = tpu.memref_slice %arg3[%mul3A_2] : memref<16384xi32, #tpu.memory_space<hbm>> -> memref<512xi32, #tpu.memory_space<hbm>>
      %dma_start3A_28 = tpu.memref_slice %arg3[%mul3A_2] : memref<16384xi32, #tpu.memory_space<hbm>> -> memref<512xi32, #tpu.memory_space<hbm>>
      tpu.enqueue_dma source(%dma_start3A_28 : memref<512xi32, #tpu.memory_space<hbm>>) target(%arg10 : memref<512xi32, #tpu.memory_space<vmem>>) target_semaphore(%run_scoped3A : memref<!tpu.dma_semaphore, #tpu.memory_space<semaphore_mem>>)
      %dma_wait3A_29 = tpu.memref_slice %arg3[%mul3A_2] : memref<16384xi32, #tpu.memory_space<hbm>> -> memref<512xi32, #tpu.memory_space<hbm>>
      %dma_wait3A_30 = tpu.memref_slice %arg3[%mul3A_2] : memref<16384xi32, #tpu.memory_space<hbm>> -> memref<512xi32, #tpu.memory_space<hbm>>
      tpu.wait_dma2 semaphore(%run_scoped3A : memref<!tpu.dma_semaphore, #tpu.memory_space<semaphore_mem>>) src(%dma_wait3A_30 : memref<512xi32, #tpu.memory_space<hbm>>) dst(%arg10 : memref<512xi32, #tpu.memory_space<vmem>>)
      tpu.yield
    }) : () -> ()
    "tpu.region"() ({
      %run_scoped3A = tpu.sem_alloc : memref<!tpu.dma_semaphore, #tpu.memory_space<semaphore_mem>>
      %dma_start3A_27 = tpu.memref_slice %arg4[%mul3A_2] : memref<16384xi32, #tpu.memory_space<hbm>> -> memref<512xi32, #tpu.memory_space<hbm>>
      %dma_start3A_28 = tpu.memref_slice %arg4[%mul3A_2] : memref<16384xi32, #tpu.memory_space<hbm>> -> memref<512xi32, #tpu.memory_space<hbm>>
      tpu.enqueue_dma source(%dma_start3A_28 : memref<512xi32, #tpu.memory_space<hbm>>) target(%arg11 : memref<512xi32, #tpu.memory_space<vmem>>) target_semaphore(%run_scoped3A : memref<!tpu.dma_semaphore, #tpu.memory_space<semaphore_mem>>)
      %dma_wait3A_29 = tpu.memref_slice %arg4[%mul3A_2] : memref<16384xi32, #tpu.memory_space<hbm>> -> memref<512xi32, #tpu.memory_space<hbm>>
      %dma_wait3A_30 = tpu.memref_slice %arg4[%mul3A_2] : memref<16384xi32, #tpu.memory_space<hbm>> -> memref<512xi32, #tpu.memory_space<hbm>>
      tpu.wait_dma2 semaphore(%run_scoped3A : memref<!tpu.dma_semaphore, #tpu.memory_space<semaphore_mem>>) src(%dma_wait3A_30 : memref<512xi32, #tpu.memory_space<hbm>>) dst(%arg11 : memref<512xi32, #tpu.memory_space<vmem>>)
      tpu.yield
    }) : () -> ()
    %dma_start3A = arith.constant 0 : i32
    %dma_start3A_3 = arith.constant 0 : i32
    %dma_start3A_4 = tpu.memref_slice %arg5[%dma_start3A, %dma_start3A_3] : memref<1000x32xf32, #tpu.memory_space<hbm>> -> memref<1000x32xf32, #tpu.memory_space<hbm>>
    tpu.enqueue_indirect_dma source(%dma_start3A_4 : memref<1000x32xf32, #tpu.memory_space<hbm>>) target(%arg12 : memref<512x32xf32, #tpu.memory_space<vmem>>) offsets(%arg9 : memref<512xi32, #tpu.memory_space<vmem>>) semaphore(%arg16 : memref<!tpu.dma_semaphore, #tpu.memory_space<semaphore_mem>>)
    %dma_start3A_5 = arith.constant 0 : i32
    %dma_start3A_6 = arith.constant 0 : i32
    %dma_start3A_7 = tpu.memref_slice %arg6[%dma_start3A_5, %dma_start3A_6] : memref<100000x32xf32, #tpu.memory_space<hbm>> -> memref<100000x32xf32, #tpu.memory_space<hbm>>
    tpu.enqueue_indirect_dma source(%dma_start3A_7 : memref<100000x32xf32, #tpu.memory_space<hbm>>) target(%arg13 : memref<512x32xf32, #tpu.memory_space<vmem>>) offsets(%arg10 : memref<512xi32, #tpu.memory_space<vmem>>) semaphore(%arg16 : memref<!tpu.dma_semaphore, #tpu.memory_space<semaphore_mem>>)
    %dma_start3A_8 = arith.constant 0 : i32
    %dma_start3A_9 = arith.constant 0 : i32
    %dma_start3A_10 = tpu.memref_slice %arg7[%dma_start3A_8, %dma_start3A_9] : memref<512x64xf32, #tpu.memory_space<hbm>> -> memref<512x64xf32, #tpu.memory_space<hbm>>
    tpu.enqueue_indirect_dma source(%dma_start3A_10 : memref<512x64xf32, #tpu.memory_space<hbm>>) target(%arg14 : memref<512x64xf32, #tpu.memory_space<vmem>>) offsets(%arg11 : memref<512xi32, #tpu.memory_space<vmem>>) semaphore(%arg16 : memref<!tpu.dma_semaphore, #tpu.memory_space<semaphore_mem>>)
    %dma_wait3A = arith.constant 0 : i32
    %dma_wait3A_11 = arith.constant 0 : i32
    %dma_wait3A_12 = tpu.memref_slice %arg5[%dma_wait3A, %dma_wait3A_11] : memref<1000x32xf32, #tpu.memory_space<hbm>> -> memref<1000x32xf32, #tpu.memory_space<hbm>>
    tpu.wait_indirect_dma semaphore(%arg16 : memref<!tpu.dma_semaphore, #tpu.memory_space<semaphore_mem>>) src(%dma_wait3A_12 : memref<1000x32xf32, #tpu.memory_space<hbm>>) dst(%arg12 : memref<512x32xf32, #tpu.memory_space<vmem>>)
    %dma_wait3A_13 = arith.constant 0 : i32
    %dma_wait3A_14 = arith.constant 0 : i32
    %dma_wait3A_15 = tpu.memref_slice %arg6[%dma_wait3A_13, %dma_wait3A_14] : memref<100000x32xf32, #tpu.memory_space<hbm>> -> memref<100000x32xf32, #tpu.memory_space<hbm>>
    tpu.wait_indirect_dma semaphore(%arg16 : memref<!tpu.dma_semaphore, #tpu.memory_space<semaphore_mem>>) src(%dma_wait3A_15 : memref<100000x32xf32, #tpu.memory_space<hbm>>) dst(%arg13 : memref<512x32xf32, #tpu.memory_space<vmem>>)
    %dma_wait3A_16 = arith.constant 0 : i32
    %dma_wait3A_17 = arith.constant 0 : i32
    %dma_wait3A_18 = tpu.memref_slice %arg7[%dma_wait3A_16, %dma_wait3A_17] : memref<512x64xf32, #tpu.memory_space<hbm>> -> memref<512x64xf32, #tpu.memory_space<hbm>>
    tpu.wait_indirect_dma semaphore(%arg16 : memref<!tpu.dma_semaphore, #tpu.memory_space<semaphore_mem>>) src(%dma_wait3A_18 : memref<512x64xf32, #tpu.memory_space<hbm>>) dst(%arg14 : memref<512x64xf32, #tpu.memory_space<vmem>>)
    %scan3A = arith.constant 0 : i32
    %scan3A_19 = arith.constant 0 : i32
    %scan3A_20 = arith.constant 256 : i32
    %scan3A_21 = arith.addi %scan3A_19, %scan3A_20 : i32
    %scan3A_22 = arith.constant 1 : i32
    %scan3A_23 = scf.for %scan3A_27 = %scan3A_19 to %scan3A_21 step %scan3A_22 iter_args(%scan3A_28 = %scan3A) -> (i32)  : i32 {
      %mul3A_29 = arith.constant 2 : i32
      %mul3A_30 = arith.muli %mul3A_29, %scan3A_27 : i32
      %add3A_31 = arith.constant 0 : i32
      %add3A_32 = arith.addi %mul3A_30, %add3A_31 : i32
      %mul3A_33 = arith.constant 90 : i32
      %mul3A_34 = arith.muli %mul3A_33, %add3A_32 : i32
      %get3A = arith.index_cast %add3A_32 : i32 to index
      %get3A_35 = arith.constant 0 : index
      %get3A_36 = tpu.vector_load %arg12[%get3A, %get3A_35] {strides = array<i32>} : memref<512x32xf32, #tpu.memory_space<vmem>>, vector<1x16xf32>,
      %get3A_37 = vector.shape_cast %get3A_36 : vector<1x16xf32> to vector<1x16xf32>
      %reshape3A = vector.shape_cast %get3A_37 : vector<1x16xf32> to vector<16xf32>
      %add3A_38 = arith.constant 0 : i32
      %add3A_39 = arith.addi %mul3A_34, %add3A_38 : i32
      %swap3A = arith.index_cast %add3A_39 : i32 to index
      %swap3A_40 = tpu.vector_load %arg15[%swap3A] {strides = array<i32>} : memref<46096xf32, #tpu.memory_space<vmem>>, vector<16xf32>,
      %swap3A_41 = vector.shape_cast %swap3A_40 : vector<16xf32> to vector<16xf32>
      %swap3A_42 = vector.shape_cast %reshape3A : vector<16xf32> to vector<16xf32>
      tpu.vector_store %arg15[%swap3A], %swap3A_42 {strides = array<i32>} : memref<46096xf32, #tpu.memory_space<vmem>>, vector<16xf32>,
      %get3A_43 = arith.index_cast %add3A_32 : i32 to index
      %get3A_44 = arith.constant 16 : index
      %get3A_45 = tpu.vector_load %arg12[%get3A_43, %get3A_44] {strides = array<i32>} : memref<512x32xf32, #tpu.memory_space<vmem>>, vector<1x16xf32>,
      %get3A_46 = vector.shape_cast %get3A_45 : vector<1x16xf32> to vector<1x16xf32>
      %reshape3A_47 = vector.shape_cast %get3A_46 : vector<1x16xf32> to vector<16xf32>
      %add3A_48 = arith.constant 16 : i32
      %add3A_49 = arith.addi %mul3A_34, %add3A_48 : i32
      %swap3A_50 = arith.index_cast %add3A_49 : i32 to index
      %swap3A_51 = tpu.vector_load %arg15[%swap3A_50] {strides = array<i32>} : memref<46096xf32, #tpu.memory_space<vmem>>, vector<16xf32>,
      %swap3A_52 = vector.shape_cast %swap3A_51 : vector<16xf32> to vector<16xf32>
      %swap3A_53 = vector.shape_cast %reshape3A_47 : vector<16xf32> to vector<16xf32>
      tpu.vector_store %arg15[%swap3A_50], %swap3A_53 {strides = array<i32>} : memref<46096xf32, #tpu.memory_space<vmem>>, vector<16xf32>,
      %get3A_54 = arith.index_cast %add3A_32 : i32 to index
      %get3A_55 = arith.constant 0 : index
      %get3A_56 = tpu.vector_load %arg13[%get3A_54, %get3A_55] {strides = array<i32>} : memref<512x32xf32, #tpu.memory_space<vmem>>, vector<1x16xf32>,
      %get3A_57 = vector.shape_cast %get3A_56 : vector<1x16xf32> to vector<1x16xf32>
      %reshape3A_58 = vector.shape_cast %get3A_57 : vector<1x16xf32> to vector<16xf32>
      %add3A_59 = arith.constant 20 : i32
      %add3A_60 = arith.addi %mul3A_34, %add3A_59 : i32
      %swap3A_61 = arith.index_cast %add3A_60 : i32 to index
      %swap3A_62 = tpu.vector_load %arg15[%swap3A_61] {strides = array<i32>} : memref<46096xf32, #tpu.memory_space<vmem>>, vector<16xf32>,
      %swap3A_63 = vector.shape_cast %swap3A_62 : vector<16xf32> to vector<16xf32>
      %swap3A_64 = vector.shape_cast %reshape3A_58 : vector<16xf32> to vector<16xf32>
      tpu.vector_store %arg15[%swap3A_61], %swap3A_64 {strides = array<i32>} : memref<46096xf32, #tpu.memory_space<vmem>>, vector<16xf32>,
      %get3A_65 = arith.index_cast %add3A_32 : i32 to index
      %get3A_66 = arith.constant 16 : index
      %get3A_67 = tpu.vector_load %arg13[%get3A_65, %get3A_66] {strides = array<i32>} : memref<512x32xf32, #tpu.memory_space<vmem>>, vector<1x16xf32>,
      %get3A_68 = vector.shape_cast %get3A_67 : vector<1x16xf32> to vector<1x16xf32>
      %reshape3A_69 = vector.shape_cast %get3A_68 : vector<1x16xf32> to vector<16xf32>
      %add3A_70 = arith.constant 36 : i32
      %add3A_71 = arith.addi %mul3A_34, %add3A_70 : i32
      %swap3A_72 = arith.index_cast %add3A_71 : i32 to index
      %swap3A_73 = tpu.vector_load %arg15[%swap3A_72] {strides = array<i32>} : memref<46096xf32, #tpu.memory_space<vmem>>, vector<16xf32>,
      %swap3A_74 = vector.shape_cast %swap3A_73 : vector<16xf32> to vector<16xf32>
      %swap3A_75 = vector.shape_cast %reshape3A_69 : vector<16xf32> to vector<16xf32>
      tpu.vector_store %arg15[%swap3A_72], %swap3A_75 {strides = array<i32>} : memref<46096xf32, #tpu.memory_space<vmem>>, vector<16xf32>,
      %get3A_76 = arith.index_cast %add3A_32 : i32 to index
      %get3A_77 = arith.constant 0 : index
      %get3A_78 = tpu.vector_load %arg14[%get3A_76, %get3A_77] {strides = array<i32>} : memref<512x64xf32, #tpu.memory_space<vmem>>, vector<1x16xf32>,
      %get3A_79 = vector.shape_cast %get3A_78 : vector<1x16xf32> to vector<1x16xf32>
      %reshape3A_80 = vector.shape_cast %get3A_79 : vector<1x16xf32> to vector<16xf32>
      %add3A_81 = arith.constant 40 : i32
      %add3A_82 = arith.addi %mul3A_34, %add3A_81 : i32
      %swap3A_83 = arith.index_cast %add3A_82 : i32 to index
      %swap3A_84 = tpu.vector_load %arg15[%swap3A_83] {strides = array<i32>} : memref<46096xf32, #tpu.memory_space<vmem>>, vector<16xf32>,
      %swap3A_85 = vector.shape_cast %swap3A_84 : vector<16xf32> to vector<16xf32>
      %swap3A_86 = vector.shape_cast %reshape3A_80 : vector<16xf32> to vector<16xf32>
      tpu.vector_store %arg15[%swap3A_83], %swap3A_86 {strides = array<i32>} : memref<46096xf32, #tpu.memory_space<vmem>>, vector<16xf32>,
      %get3A_87 = arith.index_cast %add3A_32 : i32 to index
      %get3A_88 = arith.constant 16 : index
      %get3A_89 = tpu.vector_load %arg14[%get3A_87, %get3A_88] {strides = array<i32>} : memref<512x64xf32, #tpu.memory_space<vmem>>, vector<1x16xf32>,
      %get3A_90 = vector.shape_cast %get3A_89 : vector<1x16xf32> to vector<1x16xf32>
      %reshape3A_91 = vector.shape_cast %get3A_90 : vector<1x16xf32> to vector<16xf32>
      %add3A_92 = arith.constant 56 : i32
      %add3A_93 = arith.addi %mul3A_34, %add3A_92 : i32
      %swap3A_94 = arith.index_cast %add3A_93 : i32 to index
      %swap3A_95 = tpu.vector_load %arg15[%swap3A_94] {strides = array<i32>} : memref<46096xf32, #tpu.memory_space<vmem>>, vector<16xf32>,
      %swap3A_96 = vector.shape_cast %swap3A_95 : vector<16xf32> to vector<16xf32>
      %swap3A_97 = vector.shape_cast %reshape3A_91 : vector<16xf32> to vector<16xf32>
      tpu.vector_store %arg15[%swap3A_94], %swap3A_97 {strides = array<i32>} : memref<46096xf32, #tpu.memory_space<vmem>>, vector<16xf32>,
      %get3A_98 = arith.index_cast %add3A_32 : i32 to index
      %get3A_99 = arith.constant 32 : index
      %get3A_100 = tpu.vector_load %arg14[%get3A_98, %get3A_99] {strides = array<i32>} : memref<512x64xf32, #tpu.memory_space<vmem>>, vector<1x16xf32>,
      %get3A_101 = vector.shape_cast %get3A_100 : vector<1x16xf32> to vector<1x16xf32>
      %reshape3A_102 = vector.shape_cast %get3A_101 : vector<1x16xf32> to vector<16xf32>
      %add3A_103 = arith.constant 72 : i32
      %add3A_104 = arith.addi %mul3A_34, %add3A_103 : i32
      %swap3A_105 = arith.index_cast %add3A_104 : i32 to index
      %swap3A_106 = tpu.vector_load %arg15[%swap3A_105] {strides = array<i32>} : memref<46096xf32, #tpu.memory_space<vmem>>, vector<16xf32>,
      %swap3A_107 = vector.shape_cast %swap3A_106 : vector<16xf32> to vector<16xf32>
      %swap3A_108 = vector.shape_cast %reshape3A_102 : vector<16xf32> to vector<16xf32>
      tpu.vector_store %arg15[%swap3A_105], %swap3A_108 {strides = array<i32>} : memref<46096xf32, #tpu.memory_space<vmem>>, vector<16xf32>,
      %get3A_109 = arith.index_cast %add3A_32 : i32 to index
      %get3A_110 = arith.constant 48 : index
      %get3A_111 = tpu.vector_load %arg14[%get3A_109, %get3A_110] {strides = array<i32>} : memref<512x64xf32, #tpu.memory_space<vmem>>, vector<1x16xf32>,
      %get3A_112 = vector.shape_cast %get3A_111 : vector<1x16xf32> to vector<1x16xf32>
      %reshape3A_113 = vector.shape_cast %get3A_112 : vector<1x16xf32> to vector<16xf32>
      %add3A_114 = arith.constant 88 : i32
      %add3A_115 = arith.addi %mul3A_34, %add3A_114 : i32
      %swap3A_116 = arith.index_cast %add3A_115 : i32 to index
      %swap3A_117 = tpu.vector_load %arg15[%swap3A_116] {strides = array<i32>} : memref<46096xf32, #tpu.memory_space<vmem>>, vector<16xf32>,
      %swap3A_118 = vector.shape_cast %swap3A_117 : vector<16xf32> to vector<16xf32>
      %swap3A_119 = vector.shape_cast %reshape3A_113 : vector<16xf32> to vector<16xf32>
      tpu.vector_store %arg15[%swap3A_116], %swap3A_119 {strides = array<i32>} : memref<46096xf32, #tpu.memory_space<vmem>>, vector<16xf32>,
      %mul3A_120 = arith.constant 2 : i32
      %mul3A_121 = arith.muli %mul3A_120, %scan3A_27 : i32
      %add3A_122 = arith.constant 1 : i32
      %add3A_123 = arith.addi %mul3A_121, %add3A_122 : i32
      %mul3A_124 = arith.constant 90 : i32
      %mul3A_125 = arith.muli %mul3A_124, %add3A_123 : i32
      %get3A_126 = arith.index_cast %add3A_123 : i32 to index
      %get3A_127 = arith.constant 0 : index
      %get3A_128 = tpu.vector_load %arg12[%get3A_126, %get3A_127] {strides = array<i32>} : memref<512x32xf32, #tpu.memory_space<vmem>>, vector<1x16xf32>,
      %get3A_129 = vector.shape_cast %get3A_128 : vector<1x16xf32> to vector<1x16xf32>
      %reshape3A_130 = vector.shape_cast %get3A_129 : vector<1x16xf32> to vector<16xf32>
      %add3A_131 = arith.constant 0 : i32
      %add3A_132 = arith.addi %mul3A_125, %add3A_131 : i32
      %swap3A_133 = arith.index_cast %add3A_132 : i32 to index
      %swap3A_134 = tpu.vector_load %arg15[%swap3A_133] {strides = array<i32>} : memref<46096xf32, #tpu.memory_space<vmem>>, vector<16xf32>,
      %swap3A_135 = vector.shape_cast %swap3A_134 : vector<16xf32> to vector<16xf32>
      %swap3A_136 = vector.shape_cast %reshape3A_130 : vector<16xf32> to vector<16xf32>
      tpu.vector_store %arg15[%swap3A_133], %swap3A_136 {strides = array<i32>} : memref<46096xf32, #tpu.memory_space<vmem>>, vector<16xf32>,
      %get3A_137 = arith.index_cast %add3A_123 : i32 to index
      %get3A_138 = arith.constant 16 : index
      %get3A_139 = tpu.vector_load %arg12[%get3A_137, %get3A_138] {strides = array<i32>} : memref<512x32xf32, #tpu.memory_space<vmem>>, vector<1x16xf32>,
      %get3A_140 = vector.shape_cast %get3A_139 : vector<1x16xf32> to vector<1x16xf32>
      %reshape3A_141 = vector.shape_cast %get3A_140 : vector<1x16xf32> to vector<16xf32>
      %add3A_142 = arith.constant 16 : i32
      %add3A_143 = arith.addi %mul3A_125, %add3A_142 : i32
      %swap3A_144 = arith.index_cast %add3A_143 : i32 to index
      %swap3A_145 = tpu.vector_load %arg15[%swap3A_144] {strides = array<i32>} : memref<46096xf32, #tpu.memory_space<vmem>>, vector<16xf32>,
      %swap3A_146 = vector.shape_cast %swap3A_145 : vector<16xf32> to vector<16xf32>
      %swap3A_147 = vector.shape_cast %reshape3A_141 : vector<16xf32> to vector<16xf32>
      tpu.vector_store %arg15[%swap3A_144], %swap3A_147 {strides = array<i32>} : memref<46096xf32, #tpu.memory_space<vmem>>, vector<16xf32>,
      %get3A_148 = arith.index_cast %add3A_123 : i32 to index
      %get3A_149 = arith.constant 0 : index
      %get3A_150 = tpu.vector_load %arg13[%get3A_148, %get3A_149] {strides = array<i32>} : memref<512x32xf32, #tpu.memory_space<vmem>>, vector<1x16xf32>,
      %get3A_151 = vector.shape_cast %get3A_150 : vector<1x16xf32> to vector<1x16xf32>
      %reshape3A_152 = vector.shape_cast %get3A_151 : vector<1x16xf32> to vector<16xf32>
      %add3A_153 = arith.constant 20 : i32
      %add3A_154 = arith.addi %mul3A_125, %add3A_153 : i32
      %swap3A_155 = arith.index_cast %add3A_154 : i32 to index
      %swap3A_156 = tpu.vector_load %arg15[%swap3A_155] {strides = array<i32>} : memref<46096xf32, #tpu.memory_space<vmem>>, vector<16xf32>,
      %swap3A_157 = vector.shape_cast %swap3A_156 : vector<16xf32> to vector<16xf32>
      %swap3A_158 = vector.shape_cast %reshape3A_152 : vector<16xf32> to vector<16xf32>
      tpu.vector_store %arg15[%swap3A_155], %swap3A_158 {strides = array<i32>} : memref<46096xf32, #tpu.memory_space<vmem>>, vector<16xf32>,
      %get3A_159 = arith.index_cast %add3A_123 : i32 to index
      %get3A_160 = arith.constant 16 : index
      %get3A_161 = tpu.vector_load %arg13[%get3A_159, %get3A_160] {strides = array<i32>} : memref<512x32xf32, #tpu.memory_space<vmem>>, vector<1x16xf32>,
      %get3A_162 = vector.shape_cast %get3A_161 : vector<1x16xf32> to vector<1x16xf32>
      %reshape3A_163 = vector.shape_cast %get3A_162 : vector<1x16xf32> to vector<16xf32>
      %add3A_164 = arith.constant 36 : i32
      %add3A_165 = arith.addi %mul3A_125, %add3A_164 : i32
      %swap3A_166 = arith.index_cast %add3A_165 : i32 to index
      %swap3A_167 = tpu.vector_load %arg15[%swap3A_166] {strides = array<i32>} : memref<46096xf32, #tpu.memory_space<vmem>>, vector<16xf32>,
      %swap3A_168 = vector.shape_cast %swap3A_167 : vector<16xf32> to vector<16xf32>
      %swap3A_169 = vector.shape_cast %reshape3A_163 : vector<16xf32> to vector<16xf32>
      tpu.vector_store %arg15[%swap3A_166], %swap3A_169 {strides = array<i32>} : memref<46096xf32, #tpu.memory_space<vmem>>, vector<16xf32>,
      %get3A_170 = arith.index_cast %add3A_123 : i32 to index
      %get3A_171 = arith.constant 0 : index
      %get3A_172 = tpu.vector_load %arg14[%get3A_170, %get3A_171] {strides = array<i32>} : memref<512x64xf32, #tpu.memory_space<vmem>>, vector<1x16xf32>,
      %get3A_173 = vector.shape_cast %get3A_172 : vector<1x16xf32> to vector<1x16xf32>
      %reshape3A_174 = vector.shape_cast %get3A_173 : vector<1x16xf32> to vector<16xf32>
      %add3A_175 = arith.constant 40 : i32
      %add3A_176 = arith.addi %mul3A_125, %add3A_175 : i32
      %swap3A_177 = arith.index_cast %add3A_176 : i32 to index
      %swap3A_178 = tpu.vector_load %arg15[%swap3A_177] {strides = array<i32>} : memref<46096xf32, #tpu.memory_space<vmem>>, vector<16xf32>,
      %swap3A_179 = vector.shape_cast %swap3A_178 : vector<16xf32> to vector<16xf32>
      %swap3A_180 = vector.shape_cast %reshape3A_174 : vector<16xf32> to vector<16xf32>
      tpu.vector_store %arg15[%swap3A_177], %swap3A_180 {strides = array<i32>} : memref<46096xf32, #tpu.memory_space<vmem>>, vector<16xf32>,
      %get3A_181 = arith.index_cast %add3A_123 : i32 to index
      %get3A_182 = arith.constant 16 : index
      %get3A_183 = tpu.vector_load %arg14[%get3A_181, %get3A_182] {strides = array<i32>} : memref<512x64xf32, #tpu.memory_space<vmem>>, vector<1x16xf32>,
      %get3A_184 = vector.shape_cast %get3A_183 : vector<1x16xf32> to vector<1x16xf32>
      %reshape3A_185 = vector.shape_cast %get3A_184 : vector<1x16xf32> to vector<16xf32>
      %add3A_186 = arith.constant 56 : i32
      %add3A_187 = arith.addi %mul3A_125, %add3A_186 : i32
      %swap3A_188 = arith.index_cast %add3A_187 : i32 to index
      %swap3A_189 = tpu.vector_load %arg15[%swap3A_188] {strides = array<i32>} : memref<46096xf32, #tpu.memory_space<vmem>>, vector<16xf32>,
      %swap3A_190 = vector.shape_cast %swap3A_189 : vector<16xf32> to vector<16xf32>
      %swap3A_191 = vector.shape_cast %reshape3A_185 : vector<16xf32> to vector<16xf32>
      tpu.vector_store %arg15[%swap3A_188], %swap3A_191 {strides = array<i32>} : memref<46096xf32, #tpu.memory_space<vmem>>, vector<16xf32>,
      %get3A_192 = arith.index_cast %add3A_123 : i32 to index
      %get3A_193 = arith.constant 32 : index
      %get3A_194 = tpu.vector_load %arg14[%get3A_192, %get3A_193] {strides = array<i32>} : memref<512x64xf32, #tpu.memory_space<vmem>>, vector<1x16xf32>,
      %get3A_195 = vector.shape_cast %get3A_194 : vector<1x16xf32> to vector<1x16xf32>
      %reshape3A_196 = vector.shape_cast %get3A_195 : vector<1x16xf32> to vector<16xf32>
      %add3A_197 = arith.constant 72 : i32
      %add3A_198 = arith.addi %mul3A_125, %add3A_197 : i32
      %swap3A_199 = arith.index_cast %add3A_198 : i32 to index
      %swap3A_200 = tpu.vector_load %arg15[%swap3A_199] {strides = array<i32>} : memref<46096xf32, #tpu.memory_space<vmem>>, vector<16xf32>,
      %swap3A_201 = vector.shape_cast %swap3A_200 : vector<16xf32> to vector<16xf32>
      %swap3A_202 = vector.shape_cast %reshape3A_196 : vector<16xf32> to vector<16xf32>
      tpu.vector_store %arg15[%swap3A_199], %swap3A_202 {strides = array<i32>} : memref<46096xf32, #tpu.memory_space<vmem>>, vector<16xf32>,
      %get3A_203 = arith.index_cast %add3A_123 : i32 to index
      %get3A_204 = arith.constant 48 : index
      %get3A_205 = tpu.vector_load %arg14[%get3A_203, %get3A_204] {strides = array<i32>} : memref<512x64xf32, #tpu.memory_space<vmem>>, vector<1x16xf32>,
      %get3A_206 = vector.shape_cast %get3A_205 : vector<1x16xf32> to vector<1x16xf32>
      %reshape3A_207 = vector.shape_cast %get3A_206 : vector<1x16xf32> to vector<16xf32>
      %add3A_208 = arith.constant 88 : i32
      %add3A_209 = arith.addi %mul3A_125, %add3A_208 : i32
      %swap3A_210 = arith.index_cast %add3A_209 : i32 to index
      %swap3A_211 = tpu.vector_load %arg15[%swap3A_210] {strides = array<i32>} : memref<46096xf32, #tpu.memory_space<vmem>>, vector<16xf32>,
      %swap3A_212 = vector.shape_cast %swap3A_211 : vector<16xf32> to vector<16xf32>
      %swap3A_213 = vector.shape_cast %reshape3A_207 : vector<16xf32> to vector<16xf32>
      tpu.vector_store %arg15[%swap3A_210], %swap3A_213 {strides = array<i32>} : memref<46096xf32, #tpu.memory_space<vmem>>, vector<16xf32>,
      %scan3A_214 = arith.constant 0 : i32
      scf.yield %scan3A_214 : i32
    }
    %scan3A_24 = arith.constant 256 : i32
    %mul3A_25 = arith.constant 90 : i32
    %mul3A_26 = arith.muli %mul3A_2, %mul3A_25 : i32
    "tpu.region"() ({
      %run_scoped3A = tpu.sem_alloc : memref<!tpu.dma_semaphore, #tpu.memory_space<semaphore_mem>>
      %dma_start3A_27 = arith.constant 0 : i32
      %dma_start3A_28 = tpu.memref_slice %arg15[%dma_start3A_27] : memref<46096xf32, #tpu.memory_space<vmem>> -> memref<46080xf32, #tpu.memory_space<vmem>>
      %dma_start3A_29 = tpu.memref_slice %arg8[%mul3A_26] : memref<1474560xf32, #tpu.memory_space<hbm>> -> memref<46080xf32, #tpu.memory_space<hbm>>
      %dma_start3A_30 = tpu.memref_slice %arg8[%mul3A_26] : memref<1474560xf32, #tpu.memory_space<hbm>> -> memref<46080xf32, #tpu.memory_space<hbm>>
      %dma_start3A_31 = arith.constant 0 : i32
      %dma_start3A_32 = tpu.memref_slice %arg15[%dma_start3A_31] : memref<46096xf32, #tpu.memory_space<vmem>> -> memref<46080xf32, #tpu.memory_space<vmem>>
      tpu.enqueue_dma source(%dma_start3A_32 : memref<46080xf32, #tpu.memory_space<vmem>>) target(%dma_start3A_30 : memref<46080xf32, #tpu.memory_space<hbm>>) target_semaphore(%run_scoped3A : memref<!tpu.dma_semaphore, #tpu.memory_space<semaphore_mem>>)
      %dma_wait3A_33 = arith.constant 0 : i32
      %dma_wait3A_34 = tpu.memref_slice %arg15[%dma_wait3A_33] : memref<46096xf32, #tpu.memory_space<vmem>> -> memref<46080xf32, #tpu.memory_space<vmem>>
      %dma_wait3A_35 = tpu.memref_slice %arg8[%mul3A_26] : memref<1474560xf32, #tpu.memory_space<hbm>> -> memref<46080xf32, #tpu.memory_space<hbm>>
      %dma_wait3A_36 = tpu.memref_slice %arg8[%mul3A_26] : memref<1474560xf32, #tpu.memory_space<hbm>> -> memref<46080xf32, #tpu.memory_space<hbm>>
      %dma_wait3A_37 = arith.constant 0 : i32
      %dma_wait3A_38 = tpu.memref_slice %arg15[%dma_wait3A_37] : memref<46096xf32, #tpu.memory_space<vmem>> -> memref<46080xf32, #tpu.memory_space<vmem>>
      tpu.wait_dma2 semaphore(%run_scoped3A : memref<!tpu.dma_semaphore, #tpu.memory_space<semaphore_mem>>) src(%dma_wait3A_38 : memref<46080xf32, #tpu.memory_space<vmem>>) dst(%dma_wait3A_36 : memref<46080xf32, #tpu.memory_space<hbm>>)
      tpu.yield
    }) : () -> ()
    return
  }
}

</mosaic_0001>

<sc_bundles>
// kernel: kernel.3.cloned.1.call-start
scs
__scs_entry_jumppad:
0x0: {  	(pc) =	sbr.rel $0x88, $3  }
0x1: {  	(tag) =	ssettag $0x0;
	lr =	simm.s32 $0x1  }
0x2: {  	[smem:$0x3F9B] =	sst lr;
	_ =	strace $0xD0000000  }
0x3: {  	_ = 	snop  }
0x4: {  	_ = 	snop  }
0x5: {  	_ = 	snop  }
0x6: {  	_ = 	snop  }
0x7: {  	_ = 	snop  }
__scs_overlays_trampoline_lowered:
0x8: {  	[smem:$0x3FAA] =	sst s0  }
0x9: {  	[smem:$0x3FAB] =	sst s1  }
0xa: {  	[smem:$0x3FAC] =	sst s2  }
0xb: {  	[smem:$0x3FAD] =	sst s3  }
0xc: {  	[smem:$0x3FAE] =	sst s4  }
0xd: {  	[smem:$0x3FAF] =	sst s5  }
0xe: {  	[smem:$0x3FB0] =	sst s6  }
0xf: {  	[smem:$0x3FB1] =	sst s7  }
0x10: {  	[smem:$0x3FB2] =	sst s8  }
0x11: {  	[smem:$0x3FB3] =	sst s9;
	s0 =	simm.s32 @!p0 $0x0  }
0x12: {  	s1 =	sld [smem:$0x3F99];
	s0 =	simm.s32 @p0 $0x1  }
0x13: {  	[smem:$0x3FB4] =	sst s0;
	s0 =	simm.s32 @!p1 $0x0  }
0x14: {  	s2 =	sld [smem:$0x3F98];
	s0 =	simm.s32 @p1 $0x1  }
0x15: {  	[smem:$0x3FB5] =	sst s0;
	s0 =	simm.s32 @!p2 $0x0  }
0x16: {  	s3 =	sld [smem:$0x3FDB];
	s0 =	simm.s32 @p2 $0x1  }
0x17: {  	s4 =	simm.s32 $0x1BF5;
	[smem:$0x3FB7] =	sst s0  }
0x18: {  	s0 =	sld [smem:$0x3F9A];
	_ =	swait.ge [sflag:s4], $0x0  }
0x19: {  	s7 =	sld [smem:$0x3F9B]  }
0x1a: {  	s8 =	sadd.s32 $0xFFFFE003, lr  }
0x1b: {  	s9 =	sadd.s32 $0xFFFFFEF7, lr;
	s5 =	simm.s32 $0xFFFFFFFF;
	p2 =	slt.u32 s8, $0xFFFFF086  }
0x1c: {  	p1 =	slt.u32 s9, $0xF7A;
	s5 =	simm.s32 @!p2 $0x0  }
0x1d: {  	s5 =	simm.s32 @p1 $0x1;
	p0 =	seq.s32 s7, s2  }
0x1e: {  	s7 =	smul.u32 @!p0 $0xF7A, s2;
	p2 =	seq.s32 @!p0 s5, $0x0  }
0x1f: {  	s9 =	smul.u32 $0xF7A, s1;
	s8 =	simm.s32 @!p0 $0x1BF5;
	p2 =	por !p2, p0  }
0x20: {  	[sflag:s8] =	ssyncset.s32 @!p0 $0xFFFFF086;
	s6 =	sadd.s32 @!p0 s3, s7;
	s7 =	simm.s32 @!p0 $0x108  }
0x21: {  	s3 =	sadd.s32 s3, s9;
	s6 =	sadd.s32 @!p0 $0x88, s6;
	s7 =	simm.s32 @p2 $0x1082  }
0x22: {  	[simem:s7], [sflag:s8] =	dma.local @!p0 [hbm:s6], $0xF7A  }
0x23: {  	s9 =	sor.u32 $0xD0000000, s2;
	s6 =	simm.s32 $0x108;
	_ =	swait.ge @!p0 [sflag:s8], $0x0  }
0x24: {  	s3 =	sadd.s32 $0x88, s3;
	s6 =	simm.s32 @!p1 $0x1082;
	[sflag:s4] =	ssyncset.s32 $0xFFFFF086  }
0x25: {  	[simem:s6], [sflag:s4] =	dma.local [hbm:s3], $0xF7A  }
0x26: {  	[smem:$0x3F9B] =	sst s1;
	(tag) =	ssettag s2;
	_ =	strace s9  }
0x27: {  	s1 =	sld [smem:$0x3FAB]  }
0x28: {  	s2 =	sld [smem:$0x3FAC]  }
0x29: {  	s4 =	sld [smem:$0x3FAE]  }
0x2a: {  	p0 =	seq.s32 s5, $0x0;
	s5 =	sld [smem:$0x3FAF]  }
0x2b: {  	s6 =	sld [smem:$0x3FB0]  }
0x2c: {  	s7 =	sld [smem:$0x3FB1]  }
0x2d: {  	s3 =	simm.s32 $0x108;
	s8 =	sld [smem:$0x3FB2]  }
0x2e: {  	s3 =	simm.s32 @!p0 $0x1082;
	s9 =	sld [smem:$0x3FB3]  }
0x2f: {  	lr =	sadd.s32 s0, s3;
	s0 =	sld [smem:$0x3FAA]  }
0x30: {  	s3 =	sld [smem:$0x3FAD]  }
0x31: {  	[smem:$0x3FB6] =	sst s10  }
0x32: {  	s10 =	sld [smem:$0x3FB4];
	_ =	sdelay $0x3  }
0x33: {  	p0 =	seq.s32 s10, $0x1;
	s10 =	sld [smem:$0x3FB6];
	_ =	sdelay $0x3  }
0x34: {  	[smem:$0x3FB6] =	sst s10  }
0x35: {  	s10 =	sld [smem:$0x3FB5];
	_ =	sdelay $0x3  }
0x36: {  	p1 =	seq.s32 s10, $0x1;
	s10 =	sld [smem:$0x3FB6];
	_ =	sdelay $0x3  }
0x37: {  	[smem:$0x3FB6] =	sst s10  }
0x38: {  	s10 =	sld [smem:$0x3FB7]  }
0x39: {  	_ = 	snop;
	(pc) =	sbr.ind lr, $3  }
0x3a: {  	_ = 	snop  }
0x3b: {  	_ = 	snop  }
0x3c: {  	p2 =	seq.s32 s10, $0x1;
	s10 =	sld [smem:$0x3FB6]  }
0x3d: {  	_ =	shalt  }
0x3e: {  	_ =	shalt  }
0x3f: {  	_ =	shalt  }
0x40: {  	_ =	shalt  }
0x41: {  	_ =	shalt  }
0x42: {  	_ =	shalt  }
0x43: {  	_ =	shalt  }
0x44: {  	_ =	shalt  }
0x45: {  	_ =	shalt  }
0x46: {  	_ =	shalt  }
0x47: {  	_ =	shalt  }
0x48: {  	_ =	shalt  }
0x49: {  	_ =	shalt  }
0x4a: {  	_ =	shalt  }
0x4b: {  	_ =	shalt  }
0x4c: {  	_ =	shalt  }
0x4d: {  	_ =	shalt  }
0x4e: {  	_ =	shalt  }
0x4f: {  	_ =	shalt  }
0x50: {  	_ =	shalt  }
0x51: {  	_ =	shalt  }
0x52: {  	_ =	shalt  }
0x53: {  	_ =	shalt  }
0x54: {  	_ =	shalt  }
0x55: {  	_ =	shalt  }
0x56: {  	_ =	shalt  }
0x57: {  	_ =	shalt  }
0x58: {  	_ =	shalt  }
0x59: {  	_ =	shalt  }
0x5a: {  	_ =	shalt  }
0x5b: {  	_ =	shalt  }
0x5c: {  	_ =	shalt  }
0x5d: {  	_ =	shalt  }
0x5e: {  	_ =	shalt  }
0x5f: {  	_ =	shalt  }
0x60: {  	_ =	shalt  }
0x61: {  	_ =	shalt  }
0x62: {  	_ =	shalt  }
0x63: {  	_ =	shalt  }
0x64: {  	_ =	shalt  }
0x65: {  	_ =	shalt  }
0x66: {  	_ =	shalt  }
0x67: {  	_ =	shalt  }
0x68: {  	_ =	shalt  }
0x69: {  	_ =	shalt  }
0x6a: {  	_ =	shalt  }
0x6b: {  	_ =	shalt  }
0x6c: {  	_ =	shalt  }
0x6d: {  	_ =	shalt  }
0x6e: {  	_ =	shalt  }
0x6f: {  	_ =	shalt  }
0x70: {  	_ =	shalt  }
0x71: {  	_ =	shalt  }
0x72: {  	_ =	shalt  }
0x73: {  	_ =	shalt  }
0x74: {  	_ =	shalt  }
0x75: {  	_ =	shalt  }
0x76: {  	_ =	shalt  }
0x77: {  	_ =	shalt  }
0x78: {  	_ =	shalt  }
0x79: {  	_ =	shalt  }
0x7a: {  	_ =	shalt  }
0x7b: {  	_ =	shalt  }
0x7c: {  	_ =	shalt  }
0x7d: {  	_ =	shalt  }
0x7e: {  	_ =	shalt  }
0x7f: {  	_ =	shalt  }
0x80: {  	_ =	shalt  }
0x81: {  	_ =	shalt  }
0x82: {  	_ =	shalt  }
0x83: {  	_ =	shalt  }
0x84: {  	_ =	shalt  }
0x85: {  	_ =	shalt  }
0x86: {  	_ =	shalt  }
0x87: {  	_ =	shalt  }
.Lfunc_end0:
.L_simem_size_0:
called_computation_lowered:
.L_overlay_start_0:
0x88: {  	s2 =	sld [smem:$0x3FD9]  }
0x89: {  	s3 =	sld [smem:$0x3FFE];
	_ =	sdelay $0x1  }
0x8a: {  	s1 =	srdreg.scid  }
0x8b: {  	s0 =	sand.u32 $0x1, s1  }
0x8c: {  	s17 =	sshll.u32 s0, $0xA;
	s2 =	sadd.s32 s3, s2  }
0x8d: {  	s2 =	sadd.s32 s2, s17  }
0x8e: {  	[smem:$0x3FC2] =	sst s2  }
0x8f: {  	_ = 	snop  }
0x90: {  	s2 =	sld [smem:$0x3FC9]  }
0x91: {  	s18 =	sld [smem:$0x3FC8]  }
0x92: {  	s4 =	sld [smem:$0x3FC7]  }
0x93: {  	s5 =	sld [smem:$0x3FD0];
	(tm) =	ssettm $0x1  }
0x94: {  	s6 =	sld [smem:$0x3FFB];
	_ =	sdelay $0x3  }
0x95: {  	_ =	strace s6  }
0x96: {  	s6 =	sld [smem:$0x3FFC];
	_ =	sdelay $0x3  }
0x97: {  	_ =	strace s6  }
0x98: {  	s6 =	sld [smem:$0x3FFD];
	_ =	sdelay $0x3  }
0x99: {  	_ =	strace s6  }
0x9a: {  	_ =	strace $0x8FFFFFFF  }
0x9b: {  	s19 =	sld [smem:$0x3FDB];
	_ =	sdelay $0x1  }
0x9c: {  	s7 =	simm.s32 $_scs_section_size  }
0x9d: {  	s8 =	simm.s32 $_size__tile_overlayer_lowered;
	s9 =	simm.s32 $_tile_overlayer_lowered  }
0x9e: {  	s22 =	simm.s32 $0x1BFF;
	s21 =	sshll.u32 s9, $0x1;
	s6 =	sadd.s32 s7, s19  }
0x9f: {  	s10 =	simm.s32 $0x0;
	s20 =	sshll.u32 s8, $0x1;
	s8 =	sadd.s32 s21, s6  }
0xa0: {  	[timem:s10], [sflag:s22] =	dma.local [hbm:s8], s20  }
0xa1: {  	_ =	swait.ge [sflag:s22], s20  }
0xa2: {  	s7 =	ssub.s32 $0x0, s20;
	[sflag:s22] =	ssyncset.done $0x0  }
0xa3: {  	[sflag:s22] =	ssyncadd.s32 s7;
	_ =	sdelay $0x1  }
0xa4: {  	s23 =	simm.s32 $0x1B8B  }
0xa5: {  	_ =	swait.ge [sflag:s23], $0x1  }
0xa6: {  	[sflag:s23] =	ssyncset.done $0x0  }
0xa7: {  	s25 =	simm.s32 $0x1B8E;
	s24 =	sld [smem:$0x3FFE];
	[sflag:s23] =	ssyncadd.s32 $0xFFFFFFFF  }
0xa8: {  	s26 =	simm.s32 $execute0_lowered;
	[smem:$0x3FD2] =	sst s25  }
0xa9: {  	s8 =	sshll.u32 s26, $0x1;
	_ =	strace $0x80000046;
	[dreg:$0x1] =	wrdreg $0xFFFFFFFF  }
0xaa: {  	s28 =	simm.s32 $_size_execute0_lowered;
	s6 =	sadd.s32 s6, s8;
	[dreg:$0x0] =	wrdreg $0x0  }
0xab: {  	s8 =	sshll.u32 s28, $0x1;
	[dreg:$0x2] =	wrdreg s6  }
0xac: {  	[dreg:$0x3] =	wrdreg s8  }
0xad: {  	[dreg:$0x4] =	wrdreg $0xC0  }
0xae: {  	_ =	task [dreg:s10], $0x5FFFF  }
0xaf: {  	[dreg:$0x1] =	wrdreg $0xFFFFFFFF  }
0xb0: {  	[dreg:$0x0] =	wrdreg $0x60  }
0xb1: {  	[dreg:$0x2] =	wrdreg s2  }
0xb2: {  	[dreg:$0x3] =	wrdreg s18  }
0xb3: {  	[dreg:$0x4] =	wrdreg s4  }
0xb4: {  	[dreg:$0x5] =	wrdreg s24  }
0xb5: {  	[dreg:$0x6] =	wrdreg s5  }
0xb6: {  	[dreg:$0x7] =	wrdreg $0x9  }
0xb7: {  	_ =	task.clear_ibuf [dreg:s10], $0x8FFFF;
	_ =	strace $0x90000046  }
0xb8: {  	s29 =	simm.s32 $0x9;
	_ =	strace $0x80000048  }
0xb9: {  	_ =	swait.ge [sflag:s29], $0x1  }
0xba: {  	[sflag:s29] =	ssyncadd.s32 $0xFFFFFFFF  }
0xbb: {  	_ =	strace $0x90000048  }
0xbc: {  	_ =	sfence  }
0xbd: {  	s30 =	sld [smem:$0x0];
	_ =	sdelay $0x2  }
0xbe: {  	s31 =	sshll.u32 s1, $0xD;
	s1 =	sshrl.u32 s1, $0x2  }
0xbf: {  	s3 =	sand.u32 $0x4000, s31;
	s1 =	sadd.s32 s1, s30  }
0xc0: {  	s0 =	sor.u32 s3, s0;
	s1 =	sshll.u32 s1, $0x11  }
0xc1: {  	s0 =	sor.u32 s1, s0  }
0xc2: {  	s0 =	sadd.s32 $0x8F2B, s0  }
0xc3: {  	[sflag:s0] =	ssyncadd.remote.s32 $0x1  }
0xc4: {  	_ =	sfence.sel $0xFFFF  }
0xc5: {  	[dreg:$0x0] =	wrdreg $0xFFFFFFFF;
	(pc) =	sbr.abs _section_cstart, $3  }
0xc6: {  	[dreg:$0x1] =	wrdreg $0xFFFFFFFF  }
0xc7: {  	_ =	task.clear_ibuf [dreg:s10], $0x2FFFF;
	_ =	strace $0x9FFFFFFF  }
0xc8: {  	(tm) =	ssettm $0x7FFFFFFF  }
0xc9: {  	_ =	shalt  }
tec
execute0_lowered:
.L_overlay_start_1:
0x0: {  	(tag) =	ssettag $0x1  }
0x1: {  	s6 =	rddreg [dreg:$0x0]  }
0x2: {  	s7 =	rddreg [dreg:$0x1]  }
0x3: {  	s8 =	rddreg [dreg:$0x2]  }
0x4: {  	s5 =	rddreg [dreg:$0x3]  }
0x5: {  	s9 =	rddreg [dreg:$0x4]  }
0x6: {  	s0 =	rddreg [dreg:$0x5]  }
0x7: {  	s1 =	simm.s32 $0x0;
	s10 =	srdreg.scid;
	s2 =	stileid.u32  }
0x8: {  	s14 =	simm.s32 $0x600;
	s15 =	simm.s32 $0x4600;
	s16 =	simm.s32 $0x8600  }
0x9: {  	s17 =	simm.s32 $0x1;
	s18 =	simm.s32 $0x10600;
	s19 =	simm.s32 $0x0  }
0xa: {  	[smem:$0x7FF] =	sst s1;
	s3 =	sadd.s32 $0x62400, s5;
	s4 =	sadd.s32 $0x800, s5  }
0xb: {  	s10 =	sand.u32 $0x1, s10;
	s11 =	sshll.u32 s2, $0x1;
	s5 =	sadd.s32 $0x63400, s5  }
0xc: {  	_ =	strace $0x80000047;
	s12 =	ssub.s32 $0x2, s10;
	s10 =	sor.u32 s10, s11  }
0xd: {  	s31 =	sshrl.u32 s12, $0x1;
	s13 =	sshll.u32 s10, $0x6;
	s10 =	smul.u32 $0x1680, s10  }
0xe: {  	s11 =	ssub.s32 s12, s31;
	s6 =	sadd.s32 s6, s13;
	s7 =	sadd.s32 s7, s13  }
0xf: {  	s8 =	sadd.s32 s8, s13;
	s12 =	simm.s32 $0x200;
	s13 =	simm.s32 $0x400  }
0x10: {  	s9 =	sadd.s32 s9, s10;
	s10 =	smax.u32 s11, $0x1;
	s11 =	simm.s32 $0x2  }
.LBB2_1:
0x11: {  	[tilespmem:s1], [sflag:$0x2] =	stream.linear.gather [hbm4b:s6+s1], $0x200, $0x38;
	[tilespmem:$0x1BA10] =	vst v63  }
0x12: {  	_ =	swait.ge [sflag:s11], $0x200  }
0x13: {  	[sflag:s11] =	ssyncset.done $0x0  }
0x14: {  	[sflag:s11] =	ssyncadd.s32 $0xFFFFFE00  }
0x15: {  	[tilespmem:s12], [sflag:$0x2] =	stream.linear.gather [hbm4b:s7+s1], $0x200, $0x38;
	[tilespmem:$0x1BA10] =	vst v63  }
0x16: {  	_ =	swait.ge [sflag:s11], $0x200  }
0x17: {  	[sflag:s11] =	ssyncset.done $0x0  }
0x18: {  	[sflag:s11] =	ssyncadd.s32 $0xFFFFFE00  }
0x19: {  	[tilespmem:s13], [sflag:$0x2] =	stream.linear.gather [hbm4b:s8+s1], $0x200, $0x38;
	[tilespmem:$0x1BA10] =	vst v63  }
0x1a: {  	_ =	swait.ge [sflag:s11], $0x200  }
0x1b: {  	[sflag:s11] =	ssyncset.done $0x0  }
0x1c: {  	[sflag:s11] =	ssyncadd.s32 $0xFFFFFE00  }
0x1d: {  	[tilespmem:s14], [sflag:$0x1] =	stream.indirect.gather [hbm4b:s3+s12], $0x20, s1, s12, $0xb8;
	[tilespmem:$0x1BA10] =	vst v63  }
0x1e: {  	_ = 	snop  }
0x1f: {  	[tilespmem:s15], [sflag:$0x1] =	stream.indirect.gather [hbm4b:s4+s12], $0x20, s12, s12, $0xb8;
	[tilespmem:$0x1BA10] =	vst v63  }
0x20: {  	_ = 	snop  }
0x21: {  	[tilespmem:s16], [sflag:$0x1] =	stream.indirect.gather [hbm4b:s5+s12], $0x40, s13, s12, $0xb8;
	[tilespmem:$0x1BA10] =	vst v63  }
0x22: {  	_ =	swait.ge [sflag:s17], $0x4000  }
0x23: {  	[sflag:s17] =	ssyncset.done $0x0  }
0x24: {  	[sflag:s17] =	ssyncadd.s32 $0xFFFFC000  }
0x25: {  	_ =	swait.ge [sflag:s17], $0x4000  }
0x26: {  	[sflag:s17] =	ssyncset.done $0x0  }
0x27: {  	[sflag:s17] =	ssyncadd.s32 $0xFFFFC000  }
0x28: {  	_ =	swait.ge [sflag:s17], $0x8000  }
0x29: {  	[sflag:s17] =	ssyncset.done $0x0  }
0x2a: {  	s20 =	simm.s32 $0x620;
	[sflag:s17] =	ssyncadd.s32 $0xFFFF8000  }
0x2b: {  	v0 =	vld [tilespmem:s20+$0xFFFFFFE0];
	_ =	sdelay $0x3  }
0x2c: {  	s23 =	simm.s32 $0x1067E  }
0x2d: {  	[tilespmem:s23+$0xFFFFFF82] =	vst v0  }
0x2e: {  	v0 =	vld [tilespmem:s20+$0xFFFFFFF0];
	_ =	sdelay $0x2  }
0x2f: {  	s21 =	simm.s32 $0x0  }
0x30: {  	s24 =	sand.u32 $0xFFFC, s21  }
0x31: {  	s21 =	simm.s32 $0x4620;
	[tilespmem:s24+$0x10610] =	vst v0  }
0x32: {  	v0 =	vld [tilespmem:s21+$0xFFFFFFE0];
	_ =	sdelay $0x4  }
0x33: {  	[tilespmem:s23+$0xFFFFFF96] =	vst v0  }
0x34: {  	v0 =	vld [tilespmem:s21+$0xFFFFFFF0];
	_ =	sdelay $0x4  }
0x35: {  	s22 =	simm.s32 $0x8640;
	[tilespmem:s23+$0xFFFFFFA6] =	vst v0  }
0x36: {  	v0 =	vld [tilespmem:s22+$0xFFFFFFC0];
	_ =	sdelay $0x4  }
0x37: {  	[tilespmem:s24+$0x10628] =	vst v0  }
0x38: {  	v0 =	vld [tilespmem:s22+$0xFFFFFFD0];
	_ =	sdelay $0x4  }
0x39: {  	[tilespmem:s24+$0x10638] =	vst v0  }
0x3a: {  	v0 =	vld [tilespmem:s22+$0xFFFFFFE0];
	_ =	sdelay $0x4  }
0x3b: {  	[tilespmem:s24+$0x10648] =	vst v0  }
0x3c: {  	v0 =	vld [tilespmem:s22+$0xFFFFFFF0];
	_ =	sdelay $0x4  }
0x3d: {  	[tilespmem:s24+$0x10658] =	vst v0  }
0x3e: {  	v0 =	vld [tilespmem:s20+$0x0];
	_ =	sdelay $0x4  }
0x3f: {  	[tilespmem:s23+$0xFFFFFFDC] =	vst v0  }
0x40: {  	v0 =	vld [tilespmem:s20+$0x10];
	_ =	sdelay $0x2  }
0x41: {  	s31 =	simm.s32 $0x5A  }
0x42: {  	s25 =	sand.u32 $0xFFFE, s31  }
0x43: {  	[tilespmem:s25+$0x10610] =	vst v0  }
0x44: {  	v0 =	vld [tilespmem:s21+$0x0];
	_ =	sdelay $0x4  }
0x45: {  	[tilespmem:s23+$0xFFFFFFF0] =	vst v0  }
0x46: {  	v0 =	vld [tilespmem:s21+$0x10];
	_ =	sdelay $0x4  }
0x47: {  	[tilespmem:s23+$0x0] =	vst v0  }
0x48: {  	v0 =	vld [tilespmem:s22+$0x0];
	_ =	sdelay $0x4  }
0x49: {  	[tilespmem:s25+$0x10628] =	vst v0  }
0x4a: {  	v0 =	vld [tilespmem:s22+$0x10];
	_ =	sdelay $0x4  }
0x4b: {  	[tilespmem:s25+$0x10638] =	vst v0  }
0x4c: {  	v0 =	vld [tilespmem:s22+$0x20];
	_ =	sdelay $0x4  }
0x4d: {  	[tilespmem:s25+$0x10648] =	vst v0  }
0x4e: {  	v0 =	vld [tilespmem:s22+$0x30];
	_ =	sdelay $0x3  }
0x4f: {  	s24 =	simm.s32 $0x10732;
	s23 =	simm.s32 $0x10E  }
.LBB2_2:
0x50: {  	[tilespmem:s25+$0x10658] =	vst v0;
	s22 =	sadd.s32 $0x80, s22;
	s21 =	sadd.s32 $0x40, s21;
	s20 =	sadd.s32 $0x40, s20  }
0x51: {  	p0 =	sne.s32 s23, $0xB3A6;
	s25 =	smov.u32 s23;
	s23 =	sadd.s32 $0xB4, s23;
	v0 =	vld [tilespmem:s20+$0xFFFFFFE0]  }
0x52: {  	_ =	sdelay $0x3  }
0x53: {  	[tilespmem:s24+$0xFFFFFF82] =	vst v0  }
0x54: {  	v0 =	vld [tilespmem:s20+$0xFFFFFFF0];
	_ =	sdelay $0x2  }
0x55: {  	s26 =	sadd.s32 $0xFFFFFFA6, s25  }
0x56: {  	s26 =	sand.u32 $0xFFFC, s26  }
0x57: {  	[tilespmem:s26+$0x10610] =	vst v0  }
0x58: {  	v0 =	vld [tilespmem:s21+$0xFFFFFFE0];
	_ =	sdelay $0x4  }
0x59: {  	[tilespmem:s24+$0xFFFFFF96] =	vst v0  }
0x5a: {  	v0 =	vld [tilespmem:s21+$0xFFFFFFF0];
	_ =	sdelay $0x4  }
0x5b: {  	[tilespmem:s24+$0xFFFFFFA6] =	vst v0  }
0x5c: {  	v0 =	vld [tilespmem:s22+$0xFFFFFFC0];
	_ =	sdelay $0x4  }
0x5d: {  	[tilespmem:s26+$0x10628] =	vst v0  }
0x5e: {  	v0 =	vld [tilespmem:s22+$0xFFFFFFD0];
	_ =	sdelay $0x4  }
0x5f: {  	[tilespmem:s26+$0x10638] =	vst v0  }
0x60: {  	v0 =	vld [tilespmem:s22+$0xFFFFFFE0];
	_ =	sdelay $0x4  }
0x61: {  	[tilespmem:s26+$0x10648] =	vst v0  }
0x62: {  	v0 =	vld [tilespmem:s22+$0xFFFFFFF0];
	_ =	sdelay $0x4  }
0x63: {  	[tilespmem:s26+$0x10658] =	vst v0  }
0x64: {  	v0 =	vld [tilespmem:s20+$0x0];
	_ =	sdelay $0x4  }
0x65: {  	[tilespmem:s24+$0xFFFFFFDC] =	vst v0  }
0x66: {  	v0 =	vld [tilespmem:s20+$0x10];
	_ =	sdelay $0x3  }
0x67: {  	s25 =	sand.u32 $0xFFFE, s25  }
0x68: {  	[tilespmem:s25+$0x10610] =	vst v0  }
0x69: {  	v0 =	vld [tilespmem:s21+$0x0];
	_ =	sdelay $0x4  }
0x6a: {  	[tilespmem:s24+$0xFFFFFFF0] =	vst v0  }
0x6b: {  	v0 =	vld [tilespmem:s21+$0x10];
	_ =	sdelay $0x4  }
0x6c: {  	[tilespmem:s24+$0x0] =	vst v0  }
0x6d: {  	v0 =	vld [tilespmem:s22+$0x0];
	_ =	sdelay $0x4  }
0x6e: {  	[tilespmem:s25+$0x10628] =	vst v0  }
0x6f: {  	v0 =	vld [tilespmem:s22+$0x10];
	_ =	sdelay $0x4  }
0x70: {  	[tilespmem:s25+$0x10638] =	vst v0  }
0x71: {  	v0 =	vld [tilespmem:s22+$0x20];
	_ =	sdelay $0x4  }
0x72: {  	[tilespmem:s25+$0x10648] =	vst v0  }
.Ltmp0:
0x73: {  	v0 =	vld [tilespmem:s22+$0x30];
	(pc) =	sbr.rel @p0 .LBB2_2-.Ltmp0, $2  }
0x74: {  	_ =	sdelay $0x2  }
0x75: {  	s24 =	sadd.s32 $0xB4, s24  }
0x76: {  	s19 =	sadd.s32 $0x1, s19  }
0x77: {  	p0 =	sne.s32 s19, s10  }
.Ltmp1:
0x78: {  	[tilespmem:s25+$0x10658] =	vst v0;
	(pc) =	sbr.rel @p0 .LBB2_1-.Ltmp1, $4  }
0x79: {  	[hbm4b:s9+s1] =	stream.linear.scatter [tilespmem:s18], [sflag:$0x2], $0xB400, $0x38;
	[tilespmem:$0x1BA10] =	vst v63  }
0x7a: {  	_ =	swait.ge [sflag:s11], $0xB400  }
0x7b: {  	[sflag:s11] =	ssyncset.done $0x0  }
0x7c: {  	[sflag:s11] =	ssyncadd.s32 $0xFFFF4C00  }
0x7d: {  	_ =	sfence.sel $0x180000  }
0x7e: {  	[bflag:$0x0] =	sbarrier.arrive $0xFFFF  }
0x7f: {  	p0 =	sne.s32 s2, $0x0;
	_ =	strace $0x90000047  }
0x80: {  	s0 =	sadd.s32 @!p0 $0x100000, s0;
	[bflag:$0x2] =	sbarrier.arrive $0xFFFF  }
0x81: {  	[sflag:s0] =	ssyncadd.tile.s32 @!p0 $0x1;
	_ =	shalt  }
.Lfunc_end2:
_tile_overlayer_lowered:
.L_overlay_start_2:
0x82: {  	(tag) =	ssettag $0x2  }
0x83: {  	s0 =	rddreg [dreg:$0x0];
	s2 =	stileid.u32  }
0x84: {  	s1 =	rddreg [dreg:$0x1];
	p0 =	sne.s32 s2, $0x0  }
0x85: {  	s3 =	rddreg [dreg:$0x2];
	[bflag:$0x3] =	sbarrier.arrive $0xFFFF;
	s2 =	simm.s32 @!p0 $0x1C02  }
0x86: {  	[timem:s3], [sflag:s2] =	dma.local @!p0 [hbm:s0], s1  }
0x87: {  	s0 =	simm.s32 @!p0 $0x2  }
0x88: {  	_ =	swait.ge @!p0 [sflag:s0], s1  }
0x89: {  	s1 =	ssub.s32 @!p0 $0x0, s1;
	[sflag:s0] =	ssyncset.done @!p0 $0x0  }
0x8a: {  	[sflag:s0] =	ssyncadd.s32 @!p0 s1  }
0x8b: {  	[bflag:$0x3] =	sbarrier.arrive $0xFFFF  }
0x8c: {  	_ =	shalt  }

</sc_bundles>
